<compile_context>
chip_gen: v7x
topology: tpu7x:2x2x1
jax: 0.10.2.dev20260603
libtpu: 0.0.44.dev20260713+nightly
codegen_flags: <defaults>
</compile_context>

<pallas_src>
import jax
import jax.numpy as jnp
from jax import lax
from jax.experimental import pallas as pl
from jax.experimental.pallas import tpu as pltpu
from jax.experimental.pallas import tpu_sc as plsc

D_MODEL = 1024
NUM = 16384

NUM_CORES = 2
NUM_SUBCORES = 16
NUM_WORKERS = NUM_CORES * NUM_SUBCORES

B_PER_W = NUM // NUM_WORKERS
CHUNK = 32
NCHUNKS = B_PER_W // CHUNK


def _gather_body(table_hbm, idx_hbm, out_hbm, idx_v, rows_v, sem0, sem1):
    wid = lax.axis_index("s") * NUM_CORES + lax.axis_index("c")
    base = wid * B_PER_W
    sems = (sem0, sem1)

    pltpu.sync_copy(idx_hbm.at[pl.ds(base, B_PER_W)], idx_v)

    def start(g, b):
        pltpu.async_copy(
            table_hbm.at[idx_v.at[pl.ds(g * CHUNK, CHUNK)]], rows_v.at[b],
            sems[b],
        )

    def finish(g, b):
        pltpu.make_async_copy(
            table_hbm.at[pl.ds(0, CHUNK)], rows_v.at[b], sems[b]
        ).wait()
        pltpu.sync_copy(rows_v.at[b], out_hbm.at[pl.ds(base + g * CHUNK, CHUNK)])

    start(0, 0)

    def body(i, carry):
        g0 = i * 2
        for b in range(2):
            g = g0 + b

            @pl.when(g + 1 < NCHUNKS)
            def _():
                start(g + 1, 1 - b)

            finish(g, b)
        return carry

    lax.fori_loop(0, NCHUNKS // 2, body, 0)


@jax.jit
def _positional_gather(encoding, idx):
    kernel_fn = pl.kernel(
        _gather_body,
        out_type=jax.ShapeDtypeStruct((NUM, D_MODEL), jnp.float32),
        mesh=plsc.VectorSubcoreMesh(core_axis_name="c", subcore_axis_name="s"),
        scratch_types=[
            pltpu.VMEM((B_PER_W,), jnp.int32),
            pltpu.VMEM((2, CHUNK, D_MODEL), jnp.float32),
            pltpu.SemaphoreType.DMA,
            pltpu.SemaphoreType.DMA,
        ],
    )
    return kernel_fn(encoding, idx)


def kernel(encoding, t):
    idx = t.reshape(NUM).astype(jnp.int32)
    return _positional_gather(encoding, idx)

# --- scband reference (transcript-rebuilt; emitter-appended) ---
"""Pipeline reference for scband-positional-encoding-57741540327621 (READ-ONLY COPY).

The authoritative reference and input builder live on the scoring server;
editing this copy changes nothing except your own understanding.
"""

import jax, jax.numpy as jnp
import numpy as np

D_MODEL = 1024
MAX_LEN = 8192
NUM = 16384


def _build_encoding(max_len, d_model):
    pos = jnp.arange(0, max_len, dtype=jnp.float32)[:, None]
    k = jnp.arange(0, d_model // 2, dtype=jnp.float32)
    div = jnp.power(10000.0, 2.0 * k / d_model)
    sin_part = jnp.sin(pos / div)
    cos_part = jnp.cos(pos / div)
    enc = jnp.zeros((max_len, d_model), dtype=jnp.float32)
    enc = enc.at[:, 0::2].set(sin_part)
    enc = enc.at[:, 1::2].set(cos_part)
    return enc


def setup_inputs(seed: int = 0) -> dict:
    key = jax.random.key(seed)
    k_t, = jax.random.split(key, 1)
    t = jax.random.randint(k_t, (NUM, 1), 0, MAX_LEN, dtype=jnp.int64)
    encoding = _build_encoding(MAX_LEN, D_MODEL)
    return {"encoding": encoding, "t": t}


def reference(encoding, t):
    # forward: gather rows of the sinusoidal table at timesteps t [num, 1] -> [num, d_model]
    idx = t[:, 0]
    return jnp.take(encoding, idx, axis=0)

if __name__ == "__main__":
    import jax
    _d = setup_inputs()
    print(jax.jit(kernel)(*tuple(_d.values())))

</pallas_src>

<mosaic_0001>
#map = affine_map<(d0, d1) -> (0, 0)>
#map1 = affine_map<(d0, d1) -> (0)>
module attributes {stable_mosaic.version = 14 : i64} {
  func.func @_gather_body(%arg0: i32, %arg1: i32, %arg2: memref<8192x1024xf32, #tpu.memory_space<hbm>>, %arg3: memref<16384xi32, #tpu.memory_space<hbm>>, %arg4: memref<16384x1024xf32, #tpu.memory_space<hbm>>, %arg5: memref<512xi32, #tpu.memory_space<vmem>>, %arg6: memref<2x32x1024xf32, #tpu.memory_space<vmem>>, %arg7: memref<!tpu.dma_semaphore, #tpu.memory_space<semaphore_mem>>, %arg8: memref<!tpu.dma_semaphore, #tpu.memory_space<semaphore_mem>>) attributes {dimension_semantics = [#tpu.dimension_semantics<core_parallel>, #tpu.dimension_semantics<subcore_parallel>], iteration_bounds = array<i64: 2, 16>, scalar_prefetch = 0 : i64, scratch_operands = 4 : i64, tpu.core_type = #tpu.core_type<sc_vector_subcore>, window_params = [{transform_indices = #map}, {transform_indices = #map1}, {transform_indices = #map}]} {
    %mul3A = arith.constant 2 : i32
    %mul3A_0 = arith.muli %arg1, %mul3A : i32
    %add3A = arith.addi %mul3A_0, %arg0 : i32
    %mul3A_1 = arith.constant 512 : i32
    %mul3A_2 = arith.muli %add3A, %mul3A_1 : i32
    "tpu.region"() ({
      %run_scoped3A = tpu.sem_alloc : memref<!tpu.dma_semaphore, #tpu.memory_space<semaphore_mem>>
      %dma_start3A_17 = tpu.memref_slice %arg3[%mul3A_2] : memref<16384xi32, #tpu.memory_space<hbm>> -> memref<512xi32, #tpu.memory_space<hbm>>
      %dma_start3A_18 = tpu.memref_slice %arg3[%mul3A_2] : memref<16384xi32, #tpu.memory_space<hbm>> -> memref<512xi32, #tpu.memory_space<hbm>>
      tpu.enqueue_dma source(%dma_start3A_18 : memref<512xi32, #tpu.memory_space<hbm>>) target(%arg5 : memref<512xi32, #tpu.memory_space<vmem>>) target_semaphore(%run_scoped3A : memref<!tpu.dma_semaphore, #tpu.memory_space<semaphore_mem>>)
      %dma_wait3A = tpu.memref_slice %arg3[%mul3A_2] : memref<16384xi32, #tpu.memory_space<hbm>> -> memref<512xi32, #tpu.memory_space<hbm>>
      %dma_wait3A_19 = tpu.memref_slice %arg3[%mul3A_2] : memref<16384xi32, #tpu.memory_space<hbm>> -> memref<512xi32, #tpu.memory_space<hbm>>
      tpu.wait_dma2 semaphore(%run_scoped3A : memref<!tpu.dma_semaphore, #tpu.memory_space<semaphore_mem>>) src(%dma_wait3A_19 : memref<512xi32, #tpu.memory_space<hbm>>) dst(%arg5 : memref<512xi32, #tpu.memory_space<vmem>>)
      tpu.yield
    }) : () -> ()
    %dma_start3A = arith.constant 0 : i32
    %dma_start3A_3 = arith.constant 0 : i32
    %dma_start3A_4 = arith.constant 0 : i32
    %dma_start3A_5 = tpu.memref_slice %arg6[%dma_start3A, %dma_start3A_3, %dma_start3A_4] : memref<2x32x1024xf32, #tpu.memory_space<vmem>> -> memref<1x32x1024xf32, #tpu.memory_space<vmem>>
    %dma_start3A_6 = tpu.memref_squeeze %dma_start3A_5 : memref<1x32x1024xf32, #tpu.memory_space<vmem>> -> memref<32x1024xf32, #tpu.memory_space<vmem>>
    %dma_start3A_7 = arith.constant 0 : i32
    %dma_start3A_8 = tpu.memref_slice %arg5[%dma_start3A_7] : memref<512xi32, #tpu.memory_space<vmem>> -> memref<32xi32, #tpu.memory_space<vmem>>
    %dma_start3A_9 = arith.constant 0 : i32
    %dma_start3A_10 = arith.constant 0 : i32
    %dma_start3A_11 = tpu.memref_slice %arg2[%dma_start3A_9, %dma_start3A_10] : memref<8192x1024xf32, #tpu.memory_space<hbm>> -> memref<8192x1024xf32, #tpu.memory_space<hbm>>
    tpu.enqueue_indirect_dma source(%dma_start3A_11 : memref<8192x1024xf32, #tpu.memory_space<hbm>>) target(%dma_start3A_6 : memref<32x1024xf32, #tpu.memory_space<vmem>>) offsets(%dma_start3A_8 : memref<32xi32, #tpu.memory_space<vmem>>) semaphore(%arg7 : memref<!tpu.dma_semaphore, #tpu.memory_space<semaphore_mem>>)
    %scan3A = arith.constant 0 : i32
    %scan3A_12 = arith.constant 0 : i32
    %scan3A_13 = arith.constant 8 : i32
    %scan3A_14 = arith.addi %scan3A_12, %scan3A_13 : i32
    %scan3A_15 = arith.constant 1 : i32
    scf.for %scan3A_17 = %scan3A_12 to %scan3A_14 step %scan3A_15  : i32 {
      %mul3A_18 = arith.constant 2 : i32
      %mul3A_19 = arith.muli %scan3A_17, %mul3A_18 : i32
      %add3A_20 = arith.constant 0 : i32
      %add3A_21 = arith.addi %mul3A_19, %add3A_20 : i32
      %add3A_22 = arith.constant 1 : i32
      %add3A_23 = arith.addi %add3A_21, %add3A_22 : i32
      %lt3A = arith.constant 16 : i32
      %lt3A_24 = arith.cmpi slt, %add3A_23, %lt3A : i32
      %convert_element_type3A = arith.extui %lt3A_24 : i1 to i32
      %cond3A = arith.constant 0 : i32
      %cond3A_25 = arith.cmpi ne, %convert_element_type3A, %cond3A : i32
      scf.if %cond3A_25 {
        %add3A_71 = arith.constant 1 : i32
        %add3A_72 = arith.addi %add3A_21, %add3A_71 : i32
        %mul3A_73 = arith.constant 32 : i32
        %mul3A_74 = arith.muli %add3A_72, %mul3A_73 : i32
        %dma_start3A_75 = arith.constant 1 : i32
        %dma_start3A_76 = arith.constant 0 : i32
        %dma_start3A_77 = arith.constant 0 : i32
        %dma_start3A_78 = tpu.memref_slice %arg6[%dma_start3A_75, %dma_start3A_76, %dma_start3A_77] : memref<2x32x1024xf32, #tpu.memory_space<vmem>> -> memref<1x32x1024xf32, #tpu.memory_space<vmem>>
        %dma_start3A_79 = tpu.memref_squeeze %dma_start3A_78 : memref<1x32x1024xf32, #tpu.memory_space<vmem>> -> memref<32x1024xf32, #tpu.memory_space<vmem>>
        %dma_start3A_80 = tpu.memref_slice %arg5[%mul3A_74] : memref<512xi32, #tpu.memory_space<vmem>> -> memref<32xi32, #tpu.memory_space<vmem>>
        %dma_start3A_81 = arith.constant 0 : i32
        %dma_start3A_82 = arith.constant 0 : i32
        %dma_start3A_83 = tpu.memref_slice %arg2[%dma_start3A_81, %dma_start3A_82] : memref<8192x1024xf32, #tpu.memory_space<hbm>> -> memref<8192x1024xf32, #tpu.memory_space<hbm>>
        tpu.enqueue_indirect_dma source(%dma_start3A_83 : memref<8192x1024xf32, #tpu.memory_space<hbm>>) target(%dma_start3A_79 : memref<32x1024xf32, #tpu.memory_space<vmem>>) offsets(%dma_start3A_80 : memref<32xi32, #tpu.memory_space<vmem>>) semaphore(%arg8 : memref<!tpu.dma_semaphore, #tpu.memory_space<semaphore_mem>>)
      } else {
      }
      %dma_wait3A = arith.constant 0 : i32
      %dma_wait3A_26 = arith.constant 0 : i32
      %dma_wait3A_27 = arith.constant 0 : i32
      %dma_wait3A_28 = tpu.memref_slice %arg6[%dma_wait3A, %dma_wait3A_26, %dma_wait3A_27] : memref<2x32x1024xf32, #tpu.memory_space<vmem>> -> memref<1x32x1024xf32, #tpu.memory_space<vmem>>
      %dma_wait3A_29 = tpu.memref_squeeze %dma_wait3A_28 : memref<1x32x1024xf32, #tpu.memory_space<vmem>> -> memref<32x1024xf32, #tpu.memory_space<vmem>>
      %dma_wait3A_30 = arith.constant 0 : i32
      %dma_wait3A_31 = arith.constant 0 : i32
      %dma_wait3A_32 = tpu.memref_slice %arg2[%dma_wait3A_30, %dma_wait3A_31] : memref<8192x1024xf32, #tpu.memory_space<hbm>> -> memref<32x1024xf32, #tpu.memory_space<hbm>>
      %dma_wait3A_33 = arith.constant 0 : i32
      %dma_wait3A_34 = arith.constant 0 : i32
      %dma_wait3A_35 = tpu.memref_slice %arg6[%dma_wait3A, %dma_wait3A_33, %dma_wait3A_34] : memref<2x32x1024xf32, #tpu.memory_space<vmem>> -> memref<1x32x1024xf32, #tpu.memory_space<vmem>>
      %dma_wait3A_36 = tpu.memref_squeeze %dma_wait3A_35 : memref<1x32x1024xf32, #tpu.memory_space<vmem>> -> memref<32x1024xf32, #tpu.memory_space<vmem>>
      %dma_wait3A_37 = arith.constant 0 : i32
      %dma_wait3A_38 = arith.constant 0 : i32
      %dma_wait3A_39 = tpu.memref_slice %arg2[%dma_wait3A_37, %dma_wait3A_38] : memref<8192x1024xf32, #tpu.memory_space<hbm>> -> memref<32x1024xf32, #tpu.memory_space<hbm>>
      tpu.wait_dma2 semaphore(%arg7 : memref<!tpu.dma_semaphore, #tpu.memory_space<semaphore_mem>>) src(%dma_wait3A_39 : memref<32x1024xf32, #tpu.memory_space<hbm>>) dst(%dma_wait3A_36 : memref<32x1024xf32, #tpu.memory_space<vmem>>)
      %mul3A_40 = arith.constant 32 : i32
      %mul3A_41 = arith.muli %add3A_21, %mul3A_40 : i32
      %add3A_42 = arith.addi %mul3A_2, %mul3A_41 : i32
      %run_scoped3A = arith.constant 0 : i32
      "tpu.region"() ({
        %run_scoped3A_71 = tpu.sem_alloc : memref<!tpu.dma_semaphore, #tpu.memory_space<semaphore_mem>>
        %dma_start3A_72 = arith.constant 0 : i32
        %dma_start3A_73 = arith.constant 0 : i32
        %dma_start3A_74 = tpu.memref_slice %arg6[%run_scoped3A, %dma_start3A_72, %dma_start3A_73] : memref<2x32x1024xf32, #tpu.memory_space<vmem>> -> memref<1x32x1024xf32, #tpu.memory_space<vmem>>
        %dma_start3A_75 = tpu.memref_squeeze %dma_start3A_74 : memref<1x32x1024xf32, #tpu.memory_space<vmem>> -> memref<32x1024xf32, #tpu.memory_space<vmem>>
        %dma_start3A_76 = arith.constant 0 : i32
        %dma_start3A_77 = tpu.memref_slice %arg4[%add3A_42, %dma_start3A_76] : memref<16384x1024xf32, #tpu.memory_space<hbm>> -> memref<32x1024xf32, #tpu.memory_space<hbm>>
        %dma_start3A_78 = arith.constant 0 : i32
        %dma_start3A_79 = tpu.memref_slice %arg4[%add3A_42, %dma_start3A_78] : memref<16384x1024xf32, #tpu.memory_space<hbm>> -> memref<32x1024xf32, #tpu.memory_space<hbm>>
        %dma_start3A_80 = arith.constant 0 : i32
        %dma_start3A_81 = arith.constant 0 : i32
        %dma_start3A_82 = tpu.memref_slice %arg6[%run_scoped3A, %dma_start3A_80, %dma_start3A_81] : memref<2x32x1024xf32, #tpu.memory_space<vmem>> -> memref<1x32x1024xf32, #tpu.memory_space<vmem>>
        %dma_start3A_83 = tpu.memref_squeeze %dma_start3A_82 : memref<1x32x1024xf32, #tpu.memory_space<vmem>> -> memref<32x1024xf32, #tpu.memory_space<vmem>>
        tpu.enqueue_dma source(%dma_start3A_83 : memref<32x1024xf32, #tpu.memory_space<vmem>>) target(%dma_start3A_79 : memref<32x1024xf32, #tpu.memory_space<hbm>>) target_semaphore(%run_scoped3A_71 : memref<!tpu.dma_semaphore, #tpu.memory_space<semaphore_mem>>)
        %dma_wait3A_84 = arith.constant 0 : i32
        %dma_wait3A_85 = arith.constant 0 : i32
        %dma_wait3A_86 = tpu.memref_slice %arg6[%run_scoped3A, %dma_wait3A_84, %dma_wait3A_85] : memref<2x32x1024xf32, #tpu.memory_space<vmem>> -> memref<1x32x1024xf32, #tpu.memory_space<vmem>>
        %dma_wait3A_87 = tpu.memref_squeeze %dma_wait3A_86 : memref<1x32x1024xf32, #tpu.memory_space<vmem>> -> memref<32x1024xf32, #tpu.memory_space<vmem>>
        %dma_wait3A_88 = arith.constant 0 : i32
        %dma_wait3A_89 = tpu.memref_slice %arg4[%add3A_42, %dma_wait3A_88] : memref<16384x1024xf32, #tpu.memory_space<hbm>> -> memref<32x1024xf32, #tpu.memory_space<hbm>>
        %dma_wait3A_90 = arith.constant 0 : i32
        %dma_wait3A_91 = tpu.memref_slice %arg4[%add3A_42, %dma_wait3A_90] : memref<16384x1024xf32, #tpu.memory_space<hbm>> -> memref<32x1024xf32, #tpu.memory_space<hbm>>
        %dma_wait3A_92 = arith.constant 0 : i32
        %dma_wait3A_93 = arith.constant 0 : i32
        %dma_wait3A_94 = tpu.memref_slice %arg6[%run_scoped3A, %dma_wait3A_92, %dma_wait3A_93] : memref<2x32x1024xf32, #tpu.memory_space<vmem>> -> memref<1x32x1024xf32, #tpu.memory_space<vmem>>
        %dma_wait3A_95 = tpu.memref_squeeze %dma_wait3A_94 : memref<1x32x1024xf32, #tpu.memory_space<vmem>> -> memref<32x1024xf32, #tpu.memory_space<vmem>>
        tpu.wait_dma2 semaphore(%run_scoped3A_71 : memref<!tpu.dma_semaphore, #tpu.memory_space<semaphore_mem>>) src(%dma_wait3A_95 : memref<32x1024xf32, #tpu.memory_space<vmem>>) dst(%dma_wait3A_91 : memref<32x1024xf32, #tpu.memory_space<hbm>>)
        tpu.yield
      }) : () -> ()
      %add3A_43 = arith.constant 1 : i32
      %add3A_44 = arith.addi %mul3A_19, %add3A_43 : i32
      %add3A_45 = arith.constant 1 : i32
      %add3A_46 = arith.addi %add3A_44, %add3A_45 : i32
      %lt3A_47 = arith.constant 16 : i32
      %lt3A_48 = arith.cmpi slt, %add3A_46, %lt3A_47 : i32
      %convert_element_type3A_49 = arith.extui %lt3A_48 : i1 to i32
      %cond3A_50 = arith.constant 0 : i32
      %cond3A_51 = arith.cmpi ne, %convert_element_type3A_49, %cond3A_50 : i32
      scf.if %cond3A_51 {
        %add3A_71 = arith.constant 1 : i32
        %add3A_72 = arith.addi %add3A_44, %add3A_71 : i32
        %mul3A_73 = arith.constant 32 : i32
        %mul3A_74 = arith.muli %add3A_72, %mul3A_73 : i32
        %dma_start3A_75 = arith.constant 0 : i32
        %dma_start3A_76 = arith.constant 0 : i32
        %dma_start3A_77 = arith.constant 0 : i32
        %dma_start3A_78 = tpu.memref_slice %arg6[%dma_start3A_75, %dma_start3A_76, %dma_start3A_77] : memref<2x32x1024xf32, #tpu.memory_space<vmem>> -> memref<1x32x1024xf32, #tpu.memory_space<vmem>>
        %dma_start3A_79 = tpu.memref_squeeze %dma_start3A_78 : memref<1x32x1024xf32, #tpu.memory_space<vmem>> -> memref<32x1024xf32, #tpu.memory_space<vmem>>
        %dma_start3A_80 = tpu.memref_slice %arg5[%mul3A_74] : memref<512xi32, #tpu.memory_space<vmem>> -> memref<32xi32, #tpu.memory_space<vmem>>
        %dma_start3A_81 = arith.constant 0 : i32
        %dma_start3A_82 = arith.constant 0 : i32
        %dma_start3A_83 = tpu.memref_slice %arg2[%dma_start3A_81, %dma_start3A_82] : memref<8192x1024xf32, #tpu.memory_space<hbm>> -> memref<8192x1024xf32, #tpu.memory_space<hbm>>
        tpu.enqueue_indirect_dma source(%dma_start3A_83 : memref<8192x1024xf32, #tpu.memory_space<hbm>>) target(%dma_start3A_79 : memref<32x1024xf32, #tpu.memory_space<vmem>>) offsets(%dma_start3A_80 : memref<32xi32, #tpu.memory_space<vmem>>) semaphore(%arg7 : memref<!tpu.dma_semaphore, #tpu.memory_space<semaphore_mem>>)
      } else {
      }
      %dma_wait3A_52 = arith.constant 1 : i32
      %dma_wait3A_53 = arith.constant 0 : i32
      %dma_wait3A_54 = arith.constant 0 : i32
      %dma_wait3A_55 = tpu.memref_slice %arg6[%dma_wait3A_52, %dma_wait3A_53, %dma_wait3A_54] : memref<2x32x1024xf32, #tpu.memory_space<vmem>> -> memref<1x32x1024xf32, #tpu.memory_space<vmem>>
      %dma_wait3A_56 = tpu.memref_squeeze %dma_wait3A_55 : memref<1x32x1024xf32, #tpu.memory_space<vmem>> -> memref<32x1024xf32, #tpu.memory_space<vmem>>
      %dma_wait3A_57 = arith.constant 0 : i32
      %dma_wait3A_58 = arith.constant 0 : i32
      %dma_wait3A_59 = tpu.memref_slice %arg2[%dma_wait3A_57, %dma_wait3A_58] : memref<8192x1024xf32, #tpu.memory_space<hbm>> -> memref<32x1024xf32, #tpu.memory_space<hbm>>
      %dma_wait3A_60 = arith.constant 0 : i32
      %dma_wait3A_61 = arith.constant 0 : i32
      %dma_wait3A_62 = tpu.memref_slice %arg6[%dma_wait3A_52, %dma_wait3A_60, %dma_wait3A_61] : memref<2x32x1024xf32, #tpu.memory_space<vmem>> -> memref<1x32x1024xf32, #tpu.memory_space<vmem>>
      %dma_wait3A_63 = tpu.memref_squeeze %dma_wait3A_62 : memref<1x32x1024xf32, #tpu.memory_space<vmem>> -> memref<32x1024xf32, #tpu.memory_space<vmem>>
      %dma_wait3A_64 = arith.constant 0 : i32
      %dma_wait3A_65 = arith.constant 0 : i32
      %dma_wait3A_66 = tpu.memref_slice %arg2[%dma_wait3A_64, %dma_wait3A_65] : memref<8192x1024xf32, #tpu.memory_space<hbm>> -> memref<32x1024xf32, #tpu.memory_space<hbm>>
      tpu.wait_dma2 semaphore(%arg8 : memref<!tpu.dma_semaphore, #tpu.memory_space<semaphore_mem>>) src(%dma_wait3A_66 : memref<32x1024xf32, #tpu.memory_space<hbm>>) dst(%dma_wait3A_63 : memref<32x1024xf32, #tpu.memory_space<vmem>>)
      %mul3A_67 = arith.constant 32 : i32
      %mul3A_68 = arith.muli %add3A_44, %mul3A_67 : i32
      %add3A_69 = arith.addi %mul3A_2, %mul3A_68 : i32
      %run_scoped3A_70 = arith.constant 1 : i32
      "tpu.region"() ({
        %run_scoped3A_71 = tpu.sem_alloc : memref<!tpu.dma_semaphore, #tpu.memory_space<semaphore_mem>>
        %dma_start3A_72 = arith.constant 0 : i32
        %dma_start3A_73 = arith.constant 0 : i32
        %dma_start3A_74 = tpu.memref_slice %arg6[%run_scoped3A_70, %dma_start3A_72, %dma_start3A_73] : memref<2x32x1024xf32, #tpu.memory_space<vmem>> -> memref<1x32x1024xf32, #tpu.memory_space<vmem>>
        %dma_start3A_75 = tpu.memref_squeeze %dma_start3A_74 : memref<1x32x1024xf32, #tpu.memory_space<vmem>> -> memref<32x1024xf32, #tpu.memory_space<vmem>>
        %dma_start3A_76 = arith.constant 0 : i32
        %dma_start3A_77 = tpu.memref_slice %arg4[%add3A_69, %dma_start3A_76] : memref<16384x1024xf32, #tpu.memory_space<hbm>> -> memref<32x1024xf32, #tpu.memory_space<hbm>>
        %dma_start3A_78 = arith.constant 0 : i32
        %dma_start3A_79 = tpu.memref_slice %arg4[%add3A_69, %dma_start3A_78] : memref<16384x1024xf32, #tpu.memory_space<hbm>> -> memref<32x1024xf32, #tpu.memory_space<hbm>>
        %dma_start3A_80 = arith.constant 0 : i32
        %dma_start3A_81 = arith.constant 0 : i32
        %dma_start3A_82 = tpu.memref_slice %arg6[%run_scoped3A_70, %dma_start3A_80, %dma_start3A_81] : memref<2x32x1024xf32, #tpu.memory_space<vmem>> -> memref<1x32x1024xf32, #tpu.memory_space<vmem>>
        %dma_start3A_83 = tpu.memref_squeeze %dma_start3A_82 : memref<1x32x1024xf32, #tpu.memory_space<vmem>> -> memref<32x1024xf32, #tpu.memory_space<vmem>>
        tpu.enqueue_dma source(%dma_start3A_83 : memref<32x1024xf32, #tpu.memory_space<vmem>>) target(%dma_start3A_79 : memref<32x1024xf32, #tpu.memory_space<hbm>>) target_semaphore(%run_scoped3A_71 : memref<!tpu.dma_semaphore, #tpu.memory_space<semaphore_mem>>)
        %dma_wait3A_84 = arith.constant 0 : i32
        %dma_wait3A_85 = arith.constant 0 : i32
        %dma_wait3A_86 = tpu.memref_slice %arg6[%run_scoped3A_70, %dma_wait3A_84, %dma_wait3A_85] : memref<2x32x1024xf32, #tpu.memory_space<vmem>> -> memref<1x32x1024xf32, #tpu.memory_space<vmem>>
        %dma_wait3A_87 = tpu.memref_squeeze %dma_wait3A_86 : memref<1x32x1024xf32, #tpu.memory_space<vmem>> -> memref<32x1024xf32, #tpu.memory_space<vmem>>
        %dma_wait3A_88 = arith.constant 0 : i32
        %dma_wait3A_89 = tpu.memref_slice %arg4[%add3A_69, %dma_wait3A_88] : memref<16384x1024xf32, #tpu.memory_space<hbm>> -> memref<32x1024xf32, #tpu.memory_space<hbm>>
        %dma_wait3A_90 = arith.constant 0 : i32
        %dma_wait3A_91 = tpu.memref_slice %arg4[%add3A_69, %dma_wait3A_90] : memref<16384x1024xf32, #tpu.memory_space<hbm>> -> memref<32x1024xf32, #tpu.memory_space<hbm>>
        %dma_wait3A_92 = arith.constant 0 : i32
        %dma_wait3A_93 = arith.constant 0 : i32
        %dma_wait3A_94 = tpu.memref_slice %arg6[%run_scoped3A_70, %dma_wait3A_92, %dma_wait3A_93] : memref<2x32x1024xf32, #tpu.memory_space<vmem>> -> memref<1x32x1024xf32, #tpu.memory_space<vmem>>
        %dma_wait3A_95 = tpu.memref_squeeze %dma_wait3A_94 : memref<1x32x1024xf32, #tpu.memory_space<vmem>> -> memref<32x1024xf32, #tpu.memory_space<vmem>>
        tpu.wait_dma2 semaphore(%run_scoped3A_71 : memref<!tpu.dma_semaphore, #tpu.memory_space<semaphore_mem>>) src(%dma_wait3A_95 : memref<32x1024xf32, #tpu.memory_space<vmem>>) dst(%dma_wait3A_91 : memref<32x1024xf32, #tpu.memory_space<hbm>>)
        tpu.yield
      }) : () -> ()
    }
    %scan3A_16 = arith.constant 8 : i32
    return
  }
}

</mosaic_0001>

<sc_bundles>
// kernel: _positional_gather.3.cloned.1.call-start
scs
__scs_entry_jumppad:
0x0: {  	(pc) =	sbr.rel $0x88, $3  }
0x1: {  	(tag) =	ssettag $0x0;
	lr =	simm.s32 $0x1  }
0x2: {  	[smem:$0x3F9F] =	sst lr;
	_ =	strace $0xD0000000  }
0x3: {  	_ = 	snop  }
0x4: {  	_ = 	snop  }
0x5: {  	_ = 	snop  }
0x6: {  	_ = 	snop  }
0x7: {  	_ = 	snop  }
__scs_overlays_trampoline_lowered:
0x8: {  	[smem:$0x3FAE] =	sst s0  }
0x9: {  	[smem:$0x3FAF] =	sst s1  }
0xa: {  	[smem:$0x3FB0] =	sst s2  }
0xb: {  	[smem:$0x3FB1] =	sst s3  }
0xc: {  	[smem:$0x3FB2] =	sst s4  }
0xd: {  	[smem:$0x3FB3] =	sst s5  }
0xe: {  	[smem:$0x3FB4] =	sst s6  }
0xf: {  	[smem:$0x3FB5] =	sst s7  }
0x10: {  	[smem:$0x3FB6] =	sst s8  }
0x11: {  	[smem:$0x3FB7] =	sst s9;
	s0 =	simm.s32 @!p0 $0x0  }
0x12: {  	s1 =	sld [smem:$0x3F9D];
	s0 =	simm.s32 @p0 $0x1  }
0x13: {  	[smem:$0x3FB8] =	sst s0;
	s0 =	simm.s32 @!p1 $0x0  }
0x14: {  	s2 =	sld [smem:$0x3F9C];
	s0 =	simm.s32 @p1 $0x1  }
0x15: {  	[smem:$0x3FB9] =	sst s0;
	s0 =	simm.s32 @!p2 $0x0  }
0x16: {  	s3 =	sld [smem:$0x3FDB];
	s0 =	simm.s32 @p2 $0x1  }
0x17: {  	s4 =	simm.s32 $0x1BF5;
	[smem:$0x3FBB] =	sst s0  }
0x18: {  	s0 =	sld [smem:$0x3F9E];
	_ =	swait.ge [sflag:s4], $0x0  }
0x19: {  	s7 =	sld [smem:$0x3F9F]  }
0x1a: {  	s8 =	sadd.s32 $0xFFFFE003, lr  }
0x1b: {  	s9 =	sadd.s32 $0xFFFFFEF7, lr;
	s5 =	simm.s32 $0xFFFFFFFF;
	p2 =	slt.u32 s8, $0xFFFFF086  }
0x1c: {  	p1 =	slt.u32 s9, $0xF7A;
	s5 =	simm.s32 @!p2 $0x0  }
0x1d: {  	s5 =	simm.s32 @p1 $0x1;
	p0 =	seq.s32 s7, s2  }
0x1e: {  	s7 =	smul.u32 @!p0 $0xF7A, s2;
	p2 =	seq.s32 @!p0 s5, $0x0  }
0x1f: {  	s9 =	smul.u32 $0xF7A, s1;
	s8 =	simm.s32 @!p0 $0x1BF5;
	p2 =	por !p2, p0  }
0x20: {  	[sflag:s8] =	ssyncset.s32 @!p0 $0xFFFFF086;
	s6 =	sadd.s32 @!p0 s3, s7;
	s7 =	simm.s32 @!p0 $0x108  }
0x21: {  	s3 =	sadd.s32 s3, s9;
	s6 =	sadd.s32 @!p0 $0x88, s6;
	s7 =	simm.s32 @p2 $0x1082  }
0x22: {  	[simem:s7], [sflag:s8] =	dma.local @!p0 [hbm:s6], $0xF7A  }
0x23: {  	s9 =	sor.u32 $0xD0000000, s2;
	s6 =	simm.s32 $0x108;
	_ =	swait.ge @!p0 [sflag:s8], $0x0  }
0x24: {  	s3 =	sadd.s32 $0x88, s3;
	s6 =	simm.s32 @!p1 $0x1082;
	[sflag:s4] =	ssyncset.s32 $0xFFFFF086  }
0x25: {  	[simem:s6], [sflag:s4] =	dma.local [hbm:s3], $0xF7A  }
0x26: {  	[smem:$0x3F9F] =	sst s1;
	(tag) =	ssettag s2;
	_ =	strace s9  }
0x27: {  	s1 =	sld [smem:$0x3FAF]  }
0x28: {  	s2 =	sld [smem:$0x3FB0]  }
0x29: {  	s4 =	sld [smem:$0x3FB2]  }
0x2a: {  	p0 =	seq.s32 s5, $0x0;
	s5 =	sld [smem:$0x3FB3]  }
0x2b: {  	s6 =	sld [smem:$0x3FB4]  }
0x2c: {  	s7 =	sld [smem:$0x3FB5]  }
0x2d: {  	s3 =	simm.s32 $0x108;
	s8 =	sld [smem:$0x3FB6]  }
0x2e: {  	s3 =	simm.s32 @!p0 $0x1082;
	s9 =	sld [smem:$0x3FB7]  }
0x2f: {  	lr =	sadd.s32 s0, s3;
	s0 =	sld [smem:$0x3FAE]  }
0x30: {  	s3 =	sld [smem:$0x3FB1]  }
0x31: {  	[smem:$0x3FBA] =	sst s10  }
0x32: {  	s10 =	sld [smem:$0x3FB8];
	_ =	sdelay $0x3  }
0x33: {  	p0 =	seq.s32 s10, $0x1;
	s10 =	sld [smem:$0x3FBA];
	_ =	sdelay $0x3  }
0x34: {  	[smem:$0x3FBA] =	sst s10  }
0x35: {  	s10 =	sld [smem:$0x3FB9];
	_ =	sdelay $0x3  }
0x36: {  	p1 =	seq.s32 s10, $0x1;
	s10 =	sld [smem:$0x3FBA];
	_ =	sdelay $0x3  }
0x37: {  	[smem:$0x3FBA] =	sst s10  }
0x38: {  	s10 =	sld [smem:$0x3FBB]  }
0x39: {  	_ = 	snop;
	(pc) =	sbr.ind lr, $3  }
0x3a: {  	_ = 	snop  }
0x3b: {  	_ = 	snop  }
0x3c: {  	p2 =	seq.s32 s10, $0x1;
	s10 =	sld [smem:$0x3FBA]  }
0x3d: {  	_ =	shalt  }
0x3e: {  	_ =	shalt  }
0x3f: {  	_ =	shalt  }
0x40: {  	_ =	shalt  }
0x41: {  	_ =	shalt  }
0x42: {  	_ =	shalt  }
0x43: {  	_ =	shalt  }
0x44: {  	_ =	shalt  }
0x45: {  	_ =	shalt  }
0x46: {  	_ =	shalt  }
0x47: {  	_ =	shalt  }
0x48: {  	_ =	shalt  }
0x49: {  	_ =	shalt  }
0x4a: {  	_ =	shalt  }
0x4b: {  	_ =	shalt  }
0x4c: {  	_ =	shalt  }
0x4d: {  	_ =	shalt  }
0x4e: {  	_ =	shalt  }
0x4f: {  	_ =	shalt  }
0x50: {  	_ =	shalt  }
0x51: {  	_ =	shalt  }
0x52: {  	_ =	shalt  }
0x53: {  	_ =	shalt  }
0x54: {  	_ =	shalt  }
0x55: {  	_ =	shalt  }
0x56: {  	_ =	shalt  }
0x57: {  	_ =	shalt  }
0x58: {  	_ =	shalt  }
0x59: {  	_ =	shalt  }
0x5a: {  	_ =	shalt  }
0x5b: {  	_ =	shalt  }
0x5c: {  	_ =	shalt  }
0x5d: {  	_ =	shalt  }
0x5e: {  	_ =	shalt  }
0x5f: {  	_ =	shalt  }
0x60: {  	_ =	shalt  }
0x61: {  	_ =	shalt  }
0x62: {  	_ =	shalt  }
0x63: {  	_ =	shalt  }
0x64: {  	_ =	shalt  }
0x65: {  	_ =	shalt  }
0x66: {  	_ =	shalt  }
0x67: {  	_ =	shalt  }
0x68: {  	_ =	shalt  }
0x69: {  	_ =	shalt  }
0x6a: {  	_ =	shalt  }
0x6b: {  	_ =	shalt  }
0x6c: {  	_ =	shalt  }
0x6d: {  	_ =	shalt  }
0x6e: {  	_ =	shalt  }
0x6f: {  	_ =	shalt  }
0x70: {  	_ =	shalt  }
0x71: {  	_ =	shalt  }
0x72: {  	_ =	shalt  }
0x73: {  	_ =	shalt  }
0x74: {  	_ =	shalt  }
0x75: {  	_ =	shalt  }
0x76: {  	_ =	shalt  }
0x77: {  	_ =	shalt  }
0x78: {  	_ =	shalt  }
0x79: {  	_ =	shalt  }
0x7a: {  	_ =	shalt  }
0x7b: {  	_ =	shalt  }
0x7c: {  	_ =	shalt  }
0x7d: {  	_ =	shalt  }
0x7e: {  	_ =	shalt  }
0x7f: {  	_ =	shalt  }
0x80: {  	_ =	shalt  }
0x81: {  	_ =	shalt  }
0x82: {  	_ =	shalt  }
0x83: {  	_ =	shalt  }
0x84: {  	_ =	shalt  }
0x85: {  	_ =	shalt  }
0x86: {  	_ =	shalt  }
0x87: {  	_ =	shalt  }
.Lfunc_end0:
.L_simem_size_0:
called_computation_lowered:
.L_overlay_start_0:
0x88: {  	s2 =	sld [smem:$0x3FD9]  }
0x89: {  	s3 =	sld [smem:$0x3FFE];
	_ =	sdelay $0x1  }
0x8a: {  	s1 =	srdreg.scid  }
0x8b: {  	s0 =	sand.u32 $0x1, s1  }
0x8c: {  	s18 =	sshll.u32 s0, $0xA;
	s2 =	sadd.s32 s3, s2  }
0x8d: {  	s2 =	sadd.s32 s2, s18  }
0x8e: {  	[smem:$0x3FC6] =	sst s2  }
0x8f: {  	_ = 	snop  }
0x90: {  	s2 =	sld [smem:$0x3FC9]  }
0x91: {  	s19 =	sld [smem:$0x3FC8]  }
0x92: {  	s4 =	sld [smem:$0x3FD0];
	(tm) =	ssettm $0x1  }
0x93: {  	s5 =	sld [smem:$0x3FFB];
	_ =	sdelay $0x3  }
0x94: {  	_ =	strace s5  }
0x95: {  	s5 =	sld [smem:$0x3FFC];
	_ =	sdelay $0x3  }
0x96: {  	_ =	strace s5  }
0x97: {  	s5 =	sld [smem:$0x3FFD];
	_ =	sdelay $0x3  }
0x98: {  	_ =	strace s5  }
0x99: {  	_ =	strace $0x8FFFFFFF  }
0x9a: {  	s20 =	sld [smem:$0x3FDB];
	_ =	sdelay $0x1  }
0x9b: {  	s6 =	simm.s32 $_scs_section_size  }
0x9c: {  	s7 =	simm.s32 $_size__tile_overlayer_lowered;
	s8 =	simm.s32 $_tile_overlayer_lowered  }
0x9d: {  	s23 =	simm.s32 $0x1BFF;
	s22 =	sshll.u32 s8, $0x1;
	s5 =	sadd.s32 s6, s20  }
0x9e: {  	s9 =	simm.s32 $0x0;
	s21 =	sshll.u32 s7, $0x1;
	s7 =	sadd.s32 s22, s5  }
0x9f: {  	[timem:s9], [sflag:s23] =	dma.local [hbm:s7], s21  }
0xa0: {  	_ =	swait.ge [sflag:s23], s21  }
0xa1: {  	s6 =	ssub.s32 $0x0, s21;
	[sflag:s23] =	ssyncset.done $0x0  }
0xa2: {  	[sflag:s23] =	ssyncadd.s32 s6;
	_ =	sdelay $0x1  }
0xa3: {  	s24 =	simm.s32 $0x1B8B  }
0xa4: {  	_ =	swait.ge [sflag:s24], $0x1  }
0xa5: {  	[sflag:s24] =	ssyncset.done $0x0  }
0xa6: {  	s25 =	simm.s32 $0x1B8E;
	[sflag:s24] =	ssyncadd.s32 $0xFFFFFFFF  }
0xa7: {  	s26 =	simm.s32 $execute0_lowered;
	[smem:$0x3FD2] =	sst s25  }
0xa8: {  	s6 =	sshll.u32 s26, $0x1;
	_ =	strace $0x80000046;
	[dreg:$0x1] =	wrdreg $0xFFFFFFFF  }
0xa9: {  	s28 =	simm.s32 $_size_execute0_lowered;
	s5 =	sadd.s32 s5, s6;
	[dreg:$0x0] =	wrdreg $0x0  }
0xaa: {  	s6 =	sshll.u32 s28, $0x1;
	[dreg:$0x2] =	wrdreg s5  }
0xab: {  	[dreg:$0x3] =	wrdreg s6  }
0xac: {  	[dreg:$0x4] =	wrdreg $0xC0  }
0xad: {  	_ =	task [dreg:s9], $0x5FFFF  }
0xae: {  	[dreg:$0x1] =	wrdreg $0xFFFFFFFF  }
0xaf: {  	[dreg:$0x0] =	wrdreg $0x60  }
0xb0: {  	[dreg:$0x2] =	wrdreg s2  }
0xb1: {  	[dreg:$0x3] =	wrdreg s19  }
0xb2: {  	[dreg:$0x4] =	wrdreg s4  }
0xb3: {  	[dreg:$0x5] =	wrdreg $0x9  }
0xb4: {  	_ =	task.clear_ibuf [dreg:s9], $0x6FFFF;
	_ =	strace $0x90000046  }
0xb5: {  	s29 =	simm.s32 $0x9;
	_ =	strace $0x80000048  }
0xb6: {  	_ =	swait.ge [sflag:s29], $0x1  }
0xb7: {  	[sflag:s29] =	ssyncadd.s32 $0xFFFFFFFF  }
0xb8: {  	_ =	strace $0x90000048  }
0xb9: {  	_ =	sfence  }
0xba: {  	s30 =	sld [smem:$0x0];
	_ =	sdelay $0x2  }
0xbb: {  	s31 =	sshll.u32 s1, $0xD;
	s1 =	sshrl.u32 s1, $0x2  }
0xbc: {  	s3 =	sand.u32 $0x4000, s31;
	s1 =	sadd.s32 s1, s30  }
0xbd: {  	s0 =	sor.u32 s3, s0;
	s1 =	sshll.u32 s1, $0x11  }
0xbe: {  	s0 =	sor.u32 s1, s0  }
0xbf: {  	s0 =	sadd.s32 $0x8F2B, s0  }
0xc0: {  	[sflag:s0] =	ssyncadd.remote.s32 $0x1  }
0xc1: {  	_ =	sfence.sel $0xFFFF  }
0xc2: {  	[dreg:$0x0] =	wrdreg $0xFFFFFFFF;
	(pc) =	sbr.abs _section_cstart, $3  }
0xc3: {  	[dreg:$0x1] =	wrdreg $0xFFFFFFFF  }
0xc4: {  	_ =	task.clear_ibuf [dreg:s9], $0x2FFFF;
	_ =	strace $0x9FFFFFFF  }
0xc5: {  	(tm) =	ssettm $0x7FFFFFFF  }
tec
execute0_lowered:
.L_overlay_start_1:
0x0: {  	(tag) =	ssettag $0x1  }
0x1: {  	s1 =	rddreg [dreg:$0x0]  }
0x2: {  	s0 =	rddreg [dreg:$0x1]  }
0x3: {  	s2 =	rddreg [dreg:$0x2]  }
0x4: {  	s3 =	srdreg.scid;
	s9 =	stileid.u32  }
0x5: {  	s10 =	simm.s32 $0x200;
	s14 =	simm.s32 $0x8A00;
	s15 =	simm.s32 $0x9200  }
0x6: {  	s16 =	simm.s32 $0x9A00;
	s17 =	simm.s32 $0xA200;
	s18 =	simm.s32 $0xAA00  }
0x7: {  	s19 =	simm.s32 $0xB200;
	s20 =	simm.s32 $0xBA00;
	s21 =	simm.s32 $0xC200  }
0x8: {  	s22 =	simm.s32 $0xCA00;
	s23 =	simm.s32 $0xD200;
	s24 =	simm.s32 $0xDA00  }
0x9: {  	s25 =	simm.s32 $0xE200;
	s6 =	sand.u32 $0x1, s3;
	s3 =	simm.s32 $0x0  }
0xa: {  	s26 =	simm.s32 $0xEA00;
	s28 =	simm.s32 $0xF200;
	[smem:$0x7FF] =	sst s3  }
0xb: {  	s29 =	simm.s32 $0xFA00;
	_ =	strace $0x80000047;
	[dreg:$0x5] =	wrdreg s14  }
0xc: {  	s30 =	simm.s32 $0x1;
	s31 =	simm.s32 $0x2;
	[dreg:$0x6] =	wrdreg s15  }
0xd: {  	s4 =	sshll.u32 s9, $0xA;
	s12 =	sshll.u32 s9, $0x11;
	[dreg:$0x7] =	wrdreg s16  }
0xe: {  	s9 =	simm.s32 $0x3;
	s5 =	sshll.u32 s6, $0x9;
	[dreg:$0x8] =	wrdreg s17  }
0xf: {  	s7 =	ssub.s32 $0x2, s6;
	s13 =	sshll.u32 s6, $0x10;
	[dreg:$0x9] =	wrdreg s18  }
0x10: {  	s6 =	sadd.s32 $0x200, s1;
	s4 =	sor.u32 s5, s4;
	[dreg:$0xa] =	wrdreg s19  }
0x11: {  	s11 =	sshrl.u32 s7, $0x1;
	s5 =	sadd.s32 $0x100, s1;
	[dreg:$0xb] =	wrdreg s20  }
0x12: {  	s15 =	simm.s32 $0x2A00;
	s16 =	simm.s32 $0x3200;
	[dreg:$0xc] =	wrdreg s21  }
0x13: {  	s17 =	simm.s32 $0x3A00;
	s18 =	simm.s32 $0x4200;
	[dreg:$0xd] =	wrdreg s22  }
0x14: {  	s19 =	simm.s32 $0x4A00;
	s20 =	simm.s32 $0x5200;
	[dreg:$0xe] =	wrdreg s23  }
0x15: {  	s21 =	simm.s32 $0x5A00;
	s22 =	simm.s32 $0x6200;
	[dreg:$0xf] =	wrdreg s24  }
0x16: {  	s23 =	simm.s32 $0x6A00;
	[dreg:$0x10] =	wrdreg s25;
	s24 =	simm.s32 $0x7200  }
0x17: {  	[dreg:$0x11] =	wrdreg s26;
	s25 =	simm.s32 $0x7A00;
	s4 =	sshrl.u32 s4, $0x3  }
0x18: {  	v2 =	vlaneseq.u32;
	s26 =	simm.s32 $0x8200;
	s4 =	sadd.s32 s0, s4;
	s0 =	sadd.s32 s12, s2  }
0x19: {  	vm0 =	vmmov $0xffff;
	v1 =	vshrl.u32 v2, $0x3;
	s8 =	ssub.s32 s7, s11;
	s7 =	sadd.s32 $0x300, s1;
	s0 =	sadd.s32 s13, s0  }
0x1a: {  	v0 =	vand.u32 $0x7, v2;
	v2 =	vor.u32 $0x8, v2;
	v1 =	vmul.u32 $0x8, v1;
	s8 =	smax.u32 s8, $0x1;
	[dreg:$0x4] =	wrdreg s0;
	s0 =	simm.s32 $0x0  }
.LBB2_1:
0x1b: {  	[tilespmem:s3], [sflag:$0x3] =	stream.linear.gather [hbm4b:s4+s3], $0x200, $0x38;
	[tilespmem:$0x10200] =	vst v63  }
0x1c: {  	_ =	swait.ge [sflag:s9], $0x200  }
0x1d: {  	[sflag:s9] =	ssyncset.done $0x0  }
0x1e: {  	[sflag:s9] =	ssyncadd.s32 $0xFFFFFE00  }
0x1f: {  	v3 =	vld [tilespmem:$0x0];
	_ =	sdelay $0x4  }
0x20: {  	v4 =	vshll.u32 v3, $0x3  }
0x21: {  	v3 =	vand.u32 $0x7, v3;
	v4 =	vand.u32 $0xFFFFFFC0, v4  }
0x22: {  	v3 =	vor.u32 v3, v4  }
0x23: {  	v4 =	vperm.xlane v3, v0;
	_ =	sdelay $0x1  }
0x24: {  	v4 =	vadd.s32 v1, v4;
	_ =	sdelay $0x4  }
0x25: {  	[tilespmem:s10], [sflag:$0x1] =	stream.indirect_vreg.gather [hbm4b:s1+s3], $0x80, v4, vm0, $0xb8;
	[tilespmem:$0x10200] =	vst v63  }
0x26: {  	s2 =	simm.s32 $0xA00;
	v3 =	vperm.xlane v3, v2  }
0x27: {  	[tilespmem:s2], [sflag:$0x1] =	stream.indirect_vreg.gather [hbm4b:s5+s3], $0x80, v4, vm0, $0xb8;
	[tilespmem:$0x10200] =	vst v63  }
0x28: {  	s12 =	simm.s32 $0x1200;
	v3 =	vadd.s32 v1, v3  }
0x29: {  	[tilespmem:s12], [sflag:$0x1] =	stream.indirect_vreg.gather [hbm4b:s6+s3], $0x80, v4, vm0, $0xb8;
	[tilespmem:$0x10200] =	vst v63  }
0x2a: {  	s13 =	simm.s32 $0x1A00  }
0x2b: {  	[tilespmem:s13], [sflag:$0x1] =	stream.indirect_vreg.gather [hbm4b:s7+s3], $0x80, v4, vm0, $0xb8;
	[tilespmem:$0x10200] =	vst v63  }
0x2c: {  	s14 =	simm.s32 $0x2200  }
0x2d: {  	[tilespmem:s14], [sflag:$0x1] =	stream.indirect_vreg.gather [hbm4b:s1+s3], $0x80, v3, vm0, $0xb8;
	[tilespmem:$0x10200] =	vst v63  }
0x2e: {  	_ = 	snop  }
0x2f: {  	[tilespmem:s15], [sflag:$0x1] =	stream.indirect_vreg.gather [hbm4b:s5+s3], $0x80, v3, vm0, $0xb8;
	[tilespmem:$0x10200] =	vst v63  }
0x30: {  	_ = 	snop  }
0x31: {  	[tilespmem:s16], [sflag:$0x1] =	stream.indirect_vreg.gather [hbm4b:s6+s3], $0x80, v3, vm0, $0xb8;
	[tilespmem:$0x10200] =	vst v63  }
0x32: {  	_ = 	snop  }
0x33: {  	[tilespmem:s17], [sflag:$0x1] =	stream.indirect_vreg.gather [hbm4b:s7+s3], $0x80, v3, vm0, $0xb8;
	[tilespmem:$0x10200] =	vst v63  }
0x34: {  	v3 =	vld [tilespmem:$0x10];
	_ =	sdelay $0x4  }
0x35: {  	v63 =	vshll.u32 v3, $0x3  }
0x36: {  	v3 =	vand.u32 $0x7, v3;
	v4 =	vand.u32 $0xFFFFFFC0, v63  }
0x37: {  	v3 =	vor.u32 v3, v4  }
0x38: {  	v4 =	vperm.xlane v3, v0;
	_ =	sdelay $0x1  }
0x39: {  	v4 =	vadd.s32 v1, v4;
	_ =	sdelay $0x4  }
0x3a: {  	[tilespmem:s18], [sflag:$0x1] =	stream.indirect_vreg.gather [hbm4b:s1+s3], $0x80, v4, vm0, $0xb8;
	[tilespmem:$0x10200] =	vst v63  }
0x3b: {  	v3 =	vperm.xlane v3, v2  }
0x3c: {  	[tilespmem:s19], [sflag:$0x1] =	stream.indirect_vreg.gather [hbm4b:s5+s3], $0x80, v4, vm0, $0xb8;
	[tilespmem:$0x10200] =	vst v63  }
0x3d: {  	v3 =	vadd.s32 v1, v3  }
0x3e: {  	[tilespmem:s20], [sflag:$0x1] =	stream.indirect_vreg.gather [hbm4b:s6+s3], $0x80, v4, vm0, $0xb8;
	[tilespmem:$0x10200] =	vst v63  }
0x3f: {  	_ = 	snop  }
0x40: {  	[tilespmem:s21], [sflag:$0x1] =	stream.indirect_vreg.gather [hbm4b:s7+s3], $0x80, v4, vm0, $0xb8;
	[tilespmem:$0x10200] =	vst v63  }
0x41: {  	_ = 	snop  }
0x42: {  	[tilespmem:s22], [sflag:$0x1] =	stream.indirect_vreg.gather [hbm4b:s1+s3], $0x80, v3, vm0, $0xb8;
	[tilespmem:$0x10200] =	vst v63  }
0x43: {  	_ = 	snop  }
0x44: {  	[tilespmem:s23], [sflag:$0x1] =	stream.indirect_vreg.gather [hbm4b:s5+s3], $0x80, v3, vm0, $0xb8;
	[tilespmem:$0x10200] =	vst v63  }
0x45: {  	_ = 	snop  }
0x46: {  	[tilespmem:s24], [sflag:$0x1] =	stream.indirect_vreg.gather [hbm4b:s6+s3], $0x80, v3, vm0, $0xb8;
	[tilespmem:$0x10200] =	vst v63  }
0x47: {  	s11 =	simm.s32 $0x0;
	s2 =	simm.s32 $0x30  }
0x48: {  	[tilespmem:s25], [sflag:$0x1] =	stream.indirect_vreg.gather [hbm4b:s7+s3], $0x80, v3, vm0, $0xb8;
	[tilespmem:$0x10200] =	vst v63  }
.LBB2_2:
0x49: {  	v3 =	vld [tilespmem:s2+$0xFFFFFFF0];
	_ =	sdelay $0x4  }
0x4a: {  	v4 =	vshll.u32 v3, $0x3  }
0x4b: {  	v3 =	vand.u32 $0x7, v3;
	v4 =	vand.u32 $0xFFFFFFC0, v4  }
0x4c: {  	v3 =	vor.u32 v3, v4  }
0x4d: {  	v4 =	vperm.xlane v3, v0;
	_ =	sdelay $0x1  }
0x4e: {  	v4 =	vadd.s32 v1, v4;
	_ =	sdelay $0x4  }
0x4f: {  	[tilespmem:s26], [sflag:$0x2] =	stream.indirect_vreg.gather [hbm4b:s1+s3], $0x80, v4, vm0, $0xb8;
	[tilespmem:$0x10200] =	vst v63  }
0x50: {  	s12 =	rddreg [dreg:$0x5];
	v3 =	vperm.xlane v3, v2  }
0x51: {  	[tilespmem:s12], [sflag:$0x2] =	stream.indirect_vreg.gather [hbm4b:s5+s3], $0x80, v4, vm0, $0xb8;
	[tilespmem:$0x10200] =	vst v63  }
0x52: {  	s13 =	rddreg [dreg:$0x6];
	v3 =	vadd.s32 v1, v3  }
0x53: {  	[tilespmem:s13], [sflag:$0x2] =	stream.indirect_vreg.gather [hbm4b:s6+s3], $0x80, v4, vm0, $0xb8;
	[tilespmem:$0x10200] =	vst v63  }
0x54: {  	s14 =	rddreg [dreg:$0x7]  }
0x55: {  	[tilespmem:s14], [sflag:$0x2] =	stream.indirect_vreg.gather [hbm4b:s7+s3], $0x80, v4, vm0, $0xb8;
	[tilespmem:$0x10200] =	vst v63  }
0x56: {  	s13 =	rddreg [dreg:$0x8]  }
0x57: {  	[tilespmem:s13], [sflag:$0x2] =	stream.indirect_vreg.gather [hbm4b:s1+s3], $0x80, v3, vm0, $0xb8;
	[tilespmem:$0x10200] =	vst v63  }
0x58: {  	s14 =	rddreg [dreg:$0x9]  }
0x59: {  	[tilespmem:s14], [sflag:$0x2] =	stream.indirect_vreg.gather [hbm4b:s5+s3], $0x80, v3, vm0, $0xb8;
	[tilespmem:$0x10200] =	vst v63  }
0x5a: {  	s13 =	rddreg [dreg:$0xa]  }
0x5b: {  	[tilespmem:s13], [sflag:$0x2] =	stream.indirect_vreg.gather [hbm4b:s6+s3], $0x80, v3, vm0, $0xb8;
	[tilespmem:$0x10200] =	vst v63  }
0x5c: {  	s14 =	rddreg [dreg:$0xb]  }
0x5d: {  	[tilespmem:s14], [sflag:$0x2] =	stream.indirect_vreg.gather [hbm4b:s7+s3], $0x80, v3, vm0, $0xb8;
	[tilespmem:$0x10200] =	vst v63  }
0x5e: {  	v3 =	vld [tilespmem:s2+$0x0];
	_ =	sdelay $0x4  }
0x5f: {  	v63 =	vshll.u32 v3, $0x3  }
0x60: {  	v3 =	vand.u32 $0x7, v3;
	v4 =	vand.u32 $0xFFFFFFC0, v63  }
0x61: {  	v3 =	vor.u32 v3, v4  }
0x62: {  	v4 =	vperm.xlane v3, v0;
	_ =	sdelay $0x1  }
0x63: {  	v4 =	vadd.s32 v1, v4;
	_ =	sdelay $0x3  }
0x64: {  	s13 =	rddreg [dreg:$0xc]  }
0x65: {  	[tilespmem:s13], [sflag:$0x2] =	stream.indirect_vreg.gather [hbm4b:s1+s3], $0x80, v4, vm0, $0xb8;
	[tilespmem:$0x10200] =	vst v63  }
0x66: {  	s14 =	rddreg [dreg:$0xd];
	v3 =	vperm.xlane v3, v2  }
0x67: {  	[tilespmem:s14], [sflag:$0x2] =	stream.indirect_vreg.gather [hbm4b:s5+s3], $0x80, v4, vm0, $0xb8;
	[tilespmem:$0x10200] =	vst v63  }
0x68: {  	s12 =	rddreg [dreg:$0xe];
	v3 =	vadd.s32 v1, v3  }
0x69: {  	[tilespmem:s12], [sflag:$0x2] =	stream.indirect_vreg.gather [hbm4b:s6+s3], $0x80, v4, vm0, $0xb8;
	[tilespmem:$0x10200] =	vst v63  }
0x6a: {  	s14 =	rddreg [dreg:$0xf]  }
0x6b: {  	[tilespmem:s14], [sflag:$0x2] =	stream.indirect_vreg.gather [hbm4b:s7+s3], $0x80, v4, vm0, $0xb8;
	[tilespmem:$0x10200] =	vst v63  }
0x6c: {  	s12 =	rddreg [dreg:$0x10]  }
0x6d: {  	[tilespmem:s12], [sflag:$0x2] =	stream.indirect_vreg.gather [hbm4b:s1+s3], $0x80, v3, vm0, $0xb8;
	[tilespmem:$0x10200] =	vst v63  }
0x6e: {  	s14 =	rddreg [dreg:$0x11]  }
0x6f: {  	[tilespmem:s14], [sflag:$0x2] =	stream.indirect_vreg.gather [hbm4b:s5+s3], $0x80, v3, vm0, $0xb8;
	[tilespmem:$0x10200] =	vst v63  }
0x70: {  	_ = 	snop  }
0x71: {  	[tilespmem:s28], [sflag:$0x2] =	stream.indirect_vreg.gather [hbm4b:s6+s3], $0x80, v3, vm0, $0xb8;
	[tilespmem:$0x10200] =	vst v63  }
0x72: {  	_ = 	snop  }
0x73: {  	[tilespmem:s29], [sflag:$0x2] =	stream.indirect_vreg.gather [hbm4b:s7+s3], $0x80, v3, vm0, $0xb8;
	[tilespmem:$0x10200] =	vst v63  }
0x74: {  	_ =	swait.ge [sflag:s30], $0x8000  }
0x75: {  	s14 =	rddreg [dreg:$0x4];
	[sflag:s30] =	ssyncset.done $0x0  }
0x76: {  	[sflag:s30] =	ssyncadd.s32 $0xFFFF8000;
	s12 =	sadd.s32 s11, s14  }
0x77: {  	[hbm4b:s12+s3] =	stream.linear.scatter [tilespmem:s10], [sflag:$0x3], $0x8000, $0x38;
	[tilespmem:$0x10200] =	vst v63  }
0x78: {  	_ =	swait.ge [sflag:s9], $0x8000  }
0x79: {  	[sflag:s9] =	ssyncset.done $0x0  }
0x7a: {  	p0 =	seq.s32 s11, $0xE000;
	[sflag:s9] =	ssyncadd.s32 $0xFFFF8000  }
0x7b: {  	v3 =	vld @!p0 [tilespmem:s2+$0x10];
	_ =	sdelay $0x4  }
0x7c: {  	v4 =	vshll.u32 @!p0 v3, $0x3  }
0x7d: {  	v5 =	vlaneseq.u32 @!p0;
	v3 =	vand.u32 @!p0 $0x7, v3;
	v4 =	vand.u32 @!p0 $0xFFFFFFC0, v4  }
0x7e: {  	v6 =	vshrl.u32 @!p0 v5, $0x3;
	v3 =	vor.u32 @!p0 v3, v4;
	v4 =	vand.u32 @!p0 $0x7, v5  }
0x7f: {  	v6 =	vmul.u32 @!p0 $0x8, v6;
	v7 =	vperm.xlane @!p0 v3, v4;
	_ =	sdelay $0x1  }
0x80: {  	v7 =	vadd.s32 @!p0 v6, v7;
	_ =	sdelay $0x3  }
0x81: {  	vm1 =	vmmov @!p0 $0xffff;
	s13 =	simm.s32 @!p0 $0x0;
	s14 =	simm.s32 @!p0 $0x200  }
0x82: {  	v5 =	vor.u32 @!p0 $0x8, v5;
	[tilespmem:s14], [sflag:$0x1] =	stream.indirect_vreg.gather @!p0 [hbm4b:s1+s13], $0x80, v7, vm1, $0xb8;
	[tilespmem:$0x10200] =	vst v63  }
0x83: {  	v3 =	vperm.xlane @!p0 v3, v5;
	s14 =	simm.s32 @!p0 $0xA00  }
0x84: {  	[tilespmem:s14], [sflag:$0x1] =	stream.indirect_vreg.gather @!p0 [hbm4b:s5+s13], $0x80, v7, vm1, $0xb8;
	[tilespmem:$0x10200] =	vst v63  }
0x85: {  	v3 =	vadd.s32 @!p0 v6, v3;
	s14 =	simm.s32 @!p0 $0x1200  }
0x86: {  	[tilespmem:s14], [sflag:$0x1] =	stream.indirect_vreg.gather @!p0 [hbm4b:s6+s13], $0x80, v7, vm1, $0xb8;
	[tilespmem:$0x10200] =	vst v63  }
0x87: {  	s14 =	simm.s32 @!p0 $0x1A00  }
0x88: {  	[tilespmem:s14], [sflag:$0x1] =	stream.indirect_vreg.gather @!p0 [hbm4b:s7+s13], $0x80, v7, vm1, $0xb8;
	[tilespmem:$0x10200] =	vst v63  }
0x89: {  	s14 =	simm.s32 @!p0 $0x2200  }
0x8a: {  	[tilespmem:s14], [sflag:$0x1] =	stream.indirect_vreg.gather @!p0 [hbm4b:s1+s13], $0x80, v3, vm1, $0xb8;
	[tilespmem:$0x10200] =	vst v63  }
0x8b: {  	s14 =	simm.s32 @!p0 $0x2A00  }
0x8c: {  	[tilespmem:s14], [sflag:$0x1] =	stream.indirect_vreg.gather @!p0 [hbm4b:s5+s13], $0x80, v3, vm1, $0xb8;
	[tilespmem:$0x10200] =	vst v63  }
0x8d: {  	s14 =	simm.s32 @!p0 $0x3200  }
0x8e: {  	[tilespmem:s14], [sflag:$0x1] =	stream.indirect_vreg.gather @!p0 [hbm4b:s6+s13], $0x80, v3, vm1, $0xb8;
	[tilespmem:$0x10200] =	vst v63  }
0x8f: {  	s14 =	simm.s32 @!p0 $0x3A00  }
0x90: {  	[tilespmem:s14], [sflag:$0x1] =	stream.indirect_vreg.gather @!p0 [hbm4b:s7+s13], $0x80, v3, vm1, $0xb8;
	[tilespmem:$0x10200] =	vst v63  }
0x91: {  	v3 =	vld @!p0 [tilespmem:s2+$0x20];
	_ =	sdelay $0x4  }
0x92: {  	v7 =	vshll.u32 @!p0 v3, $0x3  }
0x93: {  	v3 =	vand.u32 @!p0 $0x7, v3;
	v7 =	vand.u32 @!p0 $0xFFFFFFC0, v7  }
0x94: {  	v3 =	vor.u32 @!p0 v3, v7  }
0x95: {  	v4 =	vperm.xlane @!p0 v3, v4;
	_ =	sdelay $0x1  }
0x96: {  	v4 =	vadd.s32 @!p0 v6, v4;
	_ =	sdelay $0x3  }
0x97: {  	s14 =	simm.s32 @!p0 $0x4200  }
0x98: {  	[tilespmem:s14], [sflag:$0x1] =	stream.indirect_vreg.gather @!p0 [hbm4b:s1+s13], $0x80, v4, vm1, $0xb8;
	[tilespmem:$0x10200] =	vst v63  }
0x99: {  	v3 =	vperm.xlane @!p0 v3, v5;
	s14 =	simm.s32 @!p0 $0x4A00  }
0x9a: {  	[tilespmem:s14], [sflag:$0x1] =	stream.indirect_vreg.gather @!p0 [hbm4b:s5+s13], $0x80, v4, vm1, $0xb8;
	[tilespmem:$0x10200] =	vst v63  }
0x9b: {  	v3 =	vadd.s32 @!p0 v6, v3;
	s14 =	simm.s32 @!p0 $0x5200  }
0x9c: {  	[tilespmem:s14], [sflag:$0x1] =	stream.indirect_vreg.gather @!p0 [hbm4b:s6+s13], $0x80, v4, vm1, $0xb8;
	[tilespmem:$0x10200] =	vst v63  }
0x9d: {  	s14 =	simm.s32 @!p0 $0x5A00  }
0x9e: {  	[tilespmem:s14], [sflag:$0x1] =	stream.indirect_vreg.gather @!p0 [hbm4b:s7+s13], $0x80, v4, vm1, $0xb8;
	[tilespmem:$0x10200] =	vst v63  }
0x9f: {  	s14 =	simm.s32 @!p0 $0x6200  }
0xa0: {  	[tilespmem:s14], [sflag:$0x1] =	stream.indirect_vreg.gather @!p0 [hbm4b:s1+s13], $0x80, v3, vm1, $0xb8;
	[tilespmem:$0x10200] =	vst v63  }
0xa1: {  	s14 =	simm.s32 @!p0 $0x6A00  }
0xa2: {  	[tilespmem:s14], [sflag:$0x1] =	stream.indirect_vreg.gather @!p0 [hbm4b:s5+s13], $0x80, v3, vm1, $0xb8;
	[tilespmem:$0x10200] =	vst v63  }
0xa3: {  	s14 =	simm.s32 @!p0 $0x7200  }
0xa4: {  	[tilespmem:s14], [sflag:$0x1] =	stream.indirect_vreg.gather @!p0 [hbm4b:s6+s13], $0x80, v3, vm1, $0xb8;
	[tilespmem:$0x10200] =	vst v63  }
0xa5: {  	s14 =	simm.s32 @!p0 $0x7A00  }
0xa6: {  	[tilespmem:s14], [sflag:$0x1] =	stream.indirect_vreg.gather @!p0 [hbm4b:s7+s13], $0x80, v3, vm1, $0xb8;
	[tilespmem:$0x10200] =	vst v63  }
0xa7: {  	s11 =	sadd.s32 $0x2000, s11;
	_ =	swait.ge [sflag:s31], $0x8000  }
0xa8: {  	p0 =	sne.s32 s11, $0x10000;
	[sflag:s31] =	ssyncset.done $0x0  }
.Ltmp0:
0xa9: {  	s12 =	sadd.s32 $0x1000, s12;
	[sflag:s31] =	ssyncadd.s32 $0xFFFF8000;
	(pc) =	sbr.rel @p0 .LBB2_2-.Ltmp0, $4  }
0xaa: {  	[hbm4b:s12+s3] =	stream.linear.scatter [tilespmem:s26], [sflag:$0x3], $0x8000, $0x38;
	[tilespmem:$0x10200] =	vst v63  }
0xab: {  	_ =	swait.ge [sflag:s9], $0x8000  }
0xac: {  	[sflag:s9] =	ssyncset.done $0x0  }
0xad: {  	s2 =	sadd.s32 $0x40, s2;
	[sflag:s9] =	ssyncadd.s32 $0xFFFF8000  }
0xae: {  	s0 =	sadd.s32 $0x1, s0  }
0xaf: {  	p0 =	sne.s32 s0, s8  }
.Ltmp1:
0xb0: {  	_ = 	snop;
	(pc) =	sbr.rel @p0 .LBB2_1-.Ltmp1, $1  }
0xb1: {  	_ =	sdelay $0x3  }
0xb2: {  	_ =	sfence.sel $0x180000  }
0xb3: {  	[bflag:$0x0] =	sbarrier.arrive $0xFFFF  }
0xb4: {  	_ =	strace $0x90000047  }
0xb5: {  	s0 =	stileid.u32;
	[bflag:$0x2] =	sbarrier.arrive $0xFFFF  }
0xb6: {  	p0 =	sne.s32 s0, $0x0;
	s0 =	rddreg [dreg:$0x3]  }
0xb7: {  	s0 =	sadd.s32 @!p0 $0x100000, s0  }
0xb8: {  	[sflag:s0] =	ssyncadd.tile.s32 @!p0 $0x1;
	_ =	shalt  }
.Lfunc_end2:
_tile_overlayer_lowered:
.L_overlay_start_2:
0xb9: {  	(tag) =	ssettag $0x2  }
0xba: {  	s0 =	rddreg [dreg:$0x0];
	s2 =	stileid.u32  }
0xbb: {  	s1 =	rddreg [dreg:$0x1];
	p0 =	sne.s32 s2, $0x0  }
0xbc: {  	s3 =	rddreg [dreg:$0x2];
	[bflag:$0x3] =	sbarrier.arrive $0xFFFF;
	s2 =	simm.s32 @!p0 $0x1C03  }
0xbd: {  	[timem:s3], [sflag:s2] =	dma.local @!p0 [hbm:s0], s1  }
0xbe: {  	s0 =	simm.s32 @!p0 $0x3  }
0xbf: {  	_ =	swait.ge @!p0 [sflag:s0], s1  }
0xc0: {  	s1 =	ssub.s32 @!p0 $0x0, s1;
	[sflag:s0] =	ssyncset.done @!p0 $0x0  }
0xc1: {  	[sflag:s0] =	ssyncadd.s32 @!p0 s1  }
0xc2: {  	[bflag:$0x3] =	sbarrier.arrive $0xFFFF  }
0xc3: {  	_ =	shalt  }

</sc_bundles>
